<compile_context>
chip_gen: v7x
topology: tpu7x:2x2x1
jax: 0.10.2.dev20260603
libtpu: 0.0.44.dev20260713+nightly
codegen_flags: <defaults>
</compile_context>

<pallas_src>
import functools

import jax
import jax.numpy as jnp
from jax import lax
from jax.experimental import pallas as pl
from jax.experimental.pallas import tpu as pltpu
from jax.experimental.pallas import tpu_sc as plsc

_L = 64
_D = 2048
_B = 4
_S = 2048
_NC = 2
_NS = 16
_NW = _NC * _NS
_WPB = _NW // _B
_ROWS = (_L + _S) // _WPB


def _body(emb_hbm, prompt_hbm, out_hbm):
    wid = lax.axis_index("s") * _NC + lax.axis_index("c")
    b = wid // _WPB
    j = wid % _WPB

    @pl.when(j == 0)
    def _prompt_and_head():
        pltpu.sync_copy(prompt_hbm, out_hbm.at[b, pl.ds(0, _L), :])
        pltpu.sync_copy(
            emb_hbm.at[b, pl.ds(0, _ROWS - _L), :],
            out_hbm.at[b, pl.ds(_L, _ROWS - _L), :],
        )

    @pl.when(j > 0)
    def _tail():
        dst = j * _ROWS
        pltpu.sync_copy(
            emb_hbm.at[b, pl.ds(dst - _L, _ROWS), :],
            out_hbm.at[b, pl.ds(dst, _ROWS), :],
        )


@jax.jit
def kernel(embedded_input, prompt_table):
    out = pl.kernel(
        _body,
        out_type=jax.ShapeDtypeStruct((_B, _L + _S, _D), jnp.float32),
        mesh=plsc.VectorSubcoreMesh(core_axis_name="c", subcore_axis_name="s"),
    )(embedded_input, prompt_table)
    mask = jnp.ones((_B, _L), dtype=jnp.float32)
    return (out, mask)

# --- scband reference (transcript-rebuilt; emitter-appended) ---
"""Pipeline reference for scband-prompt-tuning-10230612099580 (READ-ONLY COPY).

The authoritative reference and input builder live on the scoring server;
editing this copy changes nothing except your own understanding.
"""

import jax, jax.numpy as jnp
import numpy as np

PROMPT_LENGTH = 64
EMBED_DIM = 2048
BATCH = 4
SEQ_LEN = 2048


def setup_inputs(seed: int = 0) -> dict:
    key = jax.random.key(seed)
    k1, k2 = jax.random.split(key)
    embedded_input = jax.random.normal(k1, (BATCH, SEQ_LEN, EMBED_DIM), dtype=jnp.float32)
    # learned parameter: prompt embedding table [prompt_length, embedding_dim]
    prompt_table = jax.random.normal(k2, (PROMPT_LENGTH, EMBED_DIM), dtype=jnp.float32)
    return {"embedded_input": embedded_input, "prompt_table": prompt_table}


def reference(embedded_input, prompt_table):
    # prompt_tokens = arange(prompt_length); embedding lookup (gather)
    prompt_tokens = jnp.arange(PROMPT_LENGTH, dtype=jnp.int32)
    prompt = jnp.take(prompt_table, prompt_tokens, axis=0)  # [L, D]
    batch_size = embedded_input.shape[0]
    # tile prompt across the batch dimension
    prompt = jnp.tile(prompt[None, :, :], (batch_size, 1, 1))  # [B, L, D]
    # combine = 'prefix': concat prompt before embedded input along sequence dim
    output = jnp.concatenate([prompt, embedded_input], axis=1)  # [B, L+S, D]
    prefix_attention_mask = jnp.ones((batch_size, PROMPT_LENGTH), dtype=jnp.float32)
    return (output, prefix_attention_mask)

if __name__ == "__main__":
    import jax
    _d = setup_inputs()
    print(jax.jit(kernel)(*tuple(_d.values())))

</pallas_src>

<mosaic_0001>
#map = affine_map<(d0, d1) -> (0, 0, 0)>
#map1 = affine_map<(d0, d1) -> (0, 0)>
module attributes {stable_mosaic.version = 14 : i64} {
  func.func @_body(%arg0: i32, %arg1: i32, %arg2: memref<4x2048x2048xf32, #tpu.memory_space<hbm>>, %arg3: memref<64x2048xf32, #tpu.memory_space<hbm>>, %arg4: memref<4x2112x2048xf32, #tpu.memory_space<hbm>>) attributes {dimension_semantics = [#tpu.dimension_semantics<core_parallel>, #tpu.dimension_semantics<subcore_parallel>], iteration_bounds = array<i64: 2, 16>, scalar_prefetch = 0 : i64, scratch_operands = 0 : i64, tpu.core_type = #tpu.core_type<sc_vector_subcore>, window_params = [{transform_indices = #map}, {transform_indices = #map1}, {transform_indices = #map}]} {
    %mul3A = arith.constant 2 : i32
    %mul3A_0 = arith.muli %arg1, %mul3A : i32
    %add3A = arith.addi %mul3A_0, %arg0 : i32
    %jit3A = arith.constant 8 : i32
    %div3A = arith.divsi %add3A, %jit3A : i32
    %sign3A = arith.constant 0 : i32
    %sign3A_1 = arith.cmpi sgt, %add3A, %sign3A : i32
    %sign3A_2 = arith.extui %sign3A_1 : i1 to i32
    %sign3A_3 = arith.constant 0 : i32
    %sign3A_4 = arith.cmpi slt, %add3A, %sign3A_3 : i32
    %sign3A_5 = arith.extui %sign3A_4 : i1 to i32
    %sign3A_6 = arith.subi %sign3A_2, %sign3A_5 : i32
    %sign3A_7 = arith.constant 0 : i32
    %sign3A_8 = arith.cmpi sgt, %jit3A, %sign3A_7 : i32
    %sign3A_9 = arith.extui %sign3A_8 : i1 to i32
    %sign3A_10 = arith.constant 0 : i32
    %sign3A_11 = arith.cmpi slt, %jit3A, %sign3A_10 : i32
    %sign3A_12 = arith.extui %sign3A_11 : i1 to i32
    %sign3A_13 = arith.subi %sign3A_9, %sign3A_12 : i32
    %ne3A = arith.cmpi ne, %sign3A_6, %sign3A_13 : i32
    %rem3A = arith.remsi %add3A, %jit3A : i32
    %ne3A_14 = arith.constant 0 : i32
    %ne3A_15 = arith.cmpi ne, %rem3A, %ne3A_14 : i32
    %and3A = arith.andi %ne3A, %ne3A_15 : i1
    %sub3A = arith.constant 1 : i32
    %sub3A_16 = arith.subi %div3A, %sub3A : i32
    %select_n3A = arith.select %and3A, %sub3A_16, %div3A : i32
    %jit3A_17 = arith.constant 8 : i32
    %eq3A = arith.constant 0 : i32
    %eq3A_18 = arith.cmpi eq, %jit3A_17, %eq3A : i32
    %jit3A_19 = arith.constant 1 : i32
    %select_n3A_20 = arith.select %eq3A_18, %jit3A_19, %jit3A_17 : i32
    %rem3A_21 = arith.remsi %add3A, %select_n3A_20 : i32
    %ne3A_22 = arith.constant 0 : i32
    %ne3A_23 = arith.cmpi ne, %rem3A_21, %ne3A_22 : i32
    %lt3A = arith.constant 0 : i32
    %lt3A_24 = arith.cmpi slt, %rem3A_21, %lt3A : i32
    %lt3A_25 = arith.constant 0 : i32
    %lt3A_26 = arith.cmpi slt, %select_n3A_20, %lt3A_25 : i32
    %ne3A_27 = arith.xori %lt3A_24, %lt3A_26 : i1
    %and3A_28 = arith.andi %ne3A_27, %ne3A_23 : i1
    %add3A_29 = arith.addi %rem3A_21, %select_n3A_20 : i32
    %select_n3A_30 = arith.select %and3A_28, %add3A_29, %rem3A_21 : i32
    %eq3A_31 = arith.constant 0 : i32
    %eq3A_32 = arith.cmpi eq, %select_n3A_30, %eq3A_31 : i32
    %convert_element_type3A = arith.extui %eq3A_32 : i1 to i32
    %cond3A = arith.constant 0 : i32
    %cond3A_33 = arith.cmpi ne, %convert_element_type3A, %cond3A : i32
    scf.if %cond3A_33 {
      "tpu.region"() ({
        %run_scoped3A = tpu.sem_alloc : memref<!tpu.dma_semaphore, #tpu.memory_space<semaphore_mem>>
        %dma_start3A = arith.constant 0 : i32
        %dma_start3A_38 = arith.constant 0 : i32
        %dma_start3A_39 = tpu.memref_slice %arg4[%select_n3A, %dma_start3A, %dma_start3A_38] : memref<4x2112x2048xf32, #tpu.memory_space<hbm>> -> memref<1x64x2048xf32, #tpu.memory_space<hbm>>
        %dma_start3A_40 = tpu.memref_squeeze %dma_start3A_39 : memref<1x64x2048xf32, #tpu.memory_space<hbm>> -> memref<64x2048xf32, #tpu.memory_space<hbm>>
        tpu.enqueue_dma source(%arg3 : memref<64x2048xf32, #tpu.memory_space<hbm>>) target(%dma_start3A_40 : memref<64x2048xf32, #tpu.memory_space<hbm>>) target_semaphore(%run_scoped3A : memref<!tpu.dma_semaphore, #tpu.memory_space<semaphore_mem>>)
        %dma_wait3A = arith.constant 0 : i32
        %dma_wait3A_41 = arith.constant 0 : i32
        %dma_wait3A_42 = tpu.memref_slice %arg4[%select_n3A, %dma_wait3A, %dma_wait3A_41] : memref<4x2112x2048xf32, #tpu.memory_space<hbm>> -> memref<1x64x2048xf32, #tpu.memory_space<hbm>>
        %dma_wait3A_43 = tpu.memref_squeeze %dma_wait3A_42 : memref<1x64x2048xf32, #tpu.memory_space<hbm>> -> memref<64x2048xf32, #tpu.memory_space<hbm>>
        tpu.wait_dma2 semaphore(%run_scoped3A : memref<!tpu.dma_semaphore, #tpu.memory_space<semaphore_mem>>) src(%arg3 : memref<64x2048xf32, #tpu.memory_space<hbm>>) dst(%dma_wait3A_43 : memref<64x2048xf32, #tpu.memory_space<hbm>>)
        tpu.yield
      }) : () -> ()
      "tpu.region"() ({
        %run_scoped3A = tpu.sem_alloc : memref<!tpu.dma_semaphore, #tpu.memory_space<semaphore_mem>>
        %dma_start3A = arith.constant 64 : i32
        %dma_start3A_38 = arith.constant 0 : i32
        %dma_start3A_39 = tpu.memref_slice %arg4[%select_n3A, %dma_start3A, %dma_start3A_38] : memref<4x2112x2048xf32, #tpu.memory_space<hbm>> -> memref<1x200x2048xf32, #tpu.memory_space<hbm>>
        %dma_start3A_40 = tpu.memref_squeeze %dma_start3A_39 : memref<1x200x2048xf32, #tpu.memory_space<hbm>> -> memref<200x2048xf32, #tpu.memory_space<hbm>>
        %dma_start3A_41 = arith.constant 0 : i32
        %dma_start3A_42 = arith.constant 0 : i32
        %dma_start3A_43 = tpu.memref_slice %arg2[%select_n3A, %dma_start3A_41, %dma_start3A_42] : memref<4x2048x2048xf32, #tpu.memory_space<hbm>> -> memref<1x200x2048xf32, #tpu.memory_space<hbm>>
        %dma_start3A_44 = tpu.memref_squeeze %dma_start3A_43 : memref<1x200x2048xf32, #tpu.memory_space<hbm>> -> memref<200x2048xf32, #tpu.memory_space<hbm>>
        tpu.enqueue_dma source(%dma_start3A_44 : memref<200x2048xf32, #tpu.memory_space<hbm>>) target(%dma_start3A_40 : memref<200x2048xf32, #tpu.memory_space<hbm>>) target_semaphore(%run_scoped3A : memref<!tpu.dma_semaphore, #tpu.memory_space<semaphore_mem>>)
        %dma_wait3A = arith.constant 64 : i32
        %dma_wait3A_45 = arith.constant 0 : i32
        %dma_wait3A_46 = tpu.memref_slice %arg4[%select_n3A, %dma_wait3A, %dma_wait3A_45] : memref<4x2112x2048xf32, #tpu.memory_space<hbm>> -> memref<1x200x2048xf32, #tpu.memory_space<hbm>>
        %dma_wait3A_47 = tpu.memref_squeeze %dma_wait3A_46 : memref<1x200x2048xf32, #tpu.memory_space<hbm>> -> memref<200x2048xf32, #tpu.memory_space<hbm>>
        %dma_wait3A_48 = arith.constant 0 : i32
        %dma_wait3A_49 = arith.constant 0 : i32
        %dma_wait3A_50 = tpu.memref_slice %arg2[%select_n3A, %dma_wait3A_48, %dma_wait3A_49] : memref<4x2048x2048xf32, #tpu.memory_space<hbm>> -> memref<1x200x2048xf32, #tpu.memory_space<hbm>>
        %dma_wait3A_51 = tpu.memref_squeeze %dma_wait3A_50 : memref<1x200x2048xf32, #tpu.memory_space<hbm>> -> memref<200x2048xf32, #tpu.memory_space<hbm>>
        tpu.wait_dma2 semaphore(%run_scoped3A : memref<!tpu.dma_semaphore, #tpu.memory_space<semaphore_mem>>) src(%dma_wait3A_51 : memref<200x2048xf32, #tpu.memory_space<hbm>>) dst(%dma_wait3A_47 : memref<200x2048xf32, #tpu.memory_space<hbm>>)
        tpu.yield
      }) : () -> ()
    } else {
    }
    %gt3A = arith.constant 0 : i32
    %gt3A_34 = arith.cmpi sgt, %select_n3A_30, %gt3A : i32
    %convert_element_type3A_35 = arith.extui %gt3A_34 : i1 to i32
    %cond3A_36 = arith.constant 0 : i32
    %cond3A_37 = arith.cmpi ne, %convert_element_type3A_35, %cond3A_36 : i32
    scf.if %cond3A_37 {
      %mul3A_38 = arith.constant 264 : i32
      %mul3A_39 = arith.muli %select_n3A_30, %mul3A_38 : i32
      %sub3A_40 = arith.constant 64 : i32
      %sub3A_41 = arith.subi %mul3A_39, %sub3A_40 : i32
      "tpu.region"() ({
        %run_scoped3A = tpu.sem_alloc : memref<!tpu.dma_semaphore, #tpu.memory_space<semaphore_mem>>
        %dma_start3A = arith.constant 0 : i32
        %dma_start3A_42 = tpu.memref_slice %arg4[%select_n3A, %mul3A_39, %dma_start3A] : memref<4x2112x2048xf32, #tpu.memory_space<hbm>> -> memref<1x264x2048xf32, #tpu.memory_space<hbm>>
        %dma_start3A_43 = tpu.memref_squeeze %dma_start3A_42 : memref<1x264x2048xf32, #tpu.memory_space<hbm>> -> memref<264x2048xf32, #tpu.memory_space<hbm>>
        %dma_start3A_44 = arith.constant 0 : i32
        %dma_start3A_45 = tpu.memref_slice %arg2[%select_n3A, %sub3A_41, %dma_start3A_44] : memref<4x2048x2048xf32, #tpu.memory_space<hbm>> -> memref<1x264x2048xf32, #tpu.memory_space<hbm>>
        %dma_start3A_46 = tpu.memref_squeeze %dma_start3A_45 : memref<1x264x2048xf32, #tpu.memory_space<hbm>> -> memref<264x2048xf32, #tpu.memory_space<hbm>>
        tpu.enqueue_dma source(%dma_start3A_46 : memref<264x2048xf32, #tpu.memory_space<hbm>>) target(%dma_start3A_43 : memref<264x2048xf32, #tpu.memory_space<hbm>>) target_semaphore(%run_scoped3A : memref<!tpu.dma_semaphore, #tpu.memory_space<semaphore_mem>>)
        %dma_wait3A = arith.constant 0 : i32
        %dma_wait3A_47 = tpu.memref_slice %arg4[%select_n3A, %mul3A_39, %dma_wait3A] : memref<4x2112x2048xf32, #tpu.memory_space<hbm>> -> memref<1x264x2048xf32, #tpu.memory_space<hbm>>
        %dma_wait3A_48 = tpu.memref_squeeze %dma_wait3A_47 : memref<1x264x2048xf32, #tpu.memory_space<hbm>> -> memref<264x2048xf32, #tpu.memory_space<hbm>>
        %dma_wait3A_49 = arith.constant 0 : i32
        %dma_wait3A_50 = tpu.memref_slice %arg2[%select_n3A, %sub3A_41, %dma_wait3A_49] : memref<4x2048x2048xf32, #tpu.memory_space<hbm>> -> memref<1x264x2048xf32, #tpu.memory_space<hbm>>
        %dma_wait3A_51 = tpu.memref_squeeze %dma_wait3A_50 : memref<1x264x2048xf32, #tpu.memory_space<hbm>> -> memref<264x2048xf32, #tpu.memory_space<hbm>>
        tpu.wait_dma2 semaphore(%run_scoped3A : memref<!tpu.dma_semaphore, #tpu.memory_space<semaphore_mem>>) src(%dma_wait3A_51 : memref<264x2048xf32, #tpu.memory_space<hbm>>) dst(%dma_wait3A_48 : memref<264x2048xf32, #tpu.memory_space<hbm>>)
        tpu.yield
      }) : () -> ()
    } else {
    }
    return
  }
}

</mosaic_0001>

<sc_bundles>
// kernel: kernel.3.cloned.1.call-start
scs
__scs_entry_jumppad:
0x0: {  	(pc) =	sbr.rel $0x88, $3  }
0x1: {  	(tag) =	ssettag $0x0;
	lr =	simm.s32 $0x1  }
0x2: {  	[smem:$0x3F9F] =	sst lr;
	_ =	strace $0xD0000000  }
0x3: {  	_ = 	snop  }
0x4: {  	_ = 	snop  }
0x5: {  	_ = 	snop  }
0x6: {  	_ = 	snop  }
0x7: {  	_ = 	snop  }
__scs_overlays_trampoline_lowered:
0x8: {  	[smem:$0x3FAE] =	sst s0  }
0x9: {  	[smem:$0x3FAF] =	sst s1  }
0xa: {  	[smem:$0x3FB0] =	sst s2  }
0xb: {  	[smem:$0x3FB1] =	sst s3  }
0xc: {  	[smem:$0x3FB2] =	sst s4  }
0xd: {  	[smem:$0x3FB3] =	sst s5  }
0xe: {  	[smem:$0x3FB4] =	sst s6  }
0xf: {  	[smem:$0x3FB5] =	sst s7  }
0x10: {  	[smem:$0x3FB6] =	sst s8  }
0x11: {  	[smem:$0x3FB7] =	sst s9;
	s0 =	simm.s32 @!p0 $0x0  }
0x12: {  	s1 =	sld [smem:$0x3F9D];
	s0 =	simm.s32 @p0 $0x1  }
0x13: {  	[smem:$0x3FB8] =	sst s0;
	s0 =	simm.s32 @!p1 $0x0  }
0x14: {  	s2 =	sld [smem:$0x3F9C];
	s0 =	simm.s32 @p1 $0x1  }
0x15: {  	[smem:$0x3FB9] =	sst s0;
	s0 =	simm.s32 @!p2 $0x0  }
0x16: {  	s3 =	sld [smem:$0x3FDB];
	s0 =	simm.s32 @p2 $0x1  }
0x17: {  	s4 =	simm.s32 $0x1BF5;
	[smem:$0x3FBB] =	sst s0  }
0x18: {  	s0 =	sld [smem:$0x3F9E];
	_ =	swait.ge [sflag:s4], $0x0  }
0x19: {  	s7 =	sld [smem:$0x3F9F]  }
0x1a: {  	s8 =	sadd.s32 $0xFFFFE003, lr  }
0x1b: {  	s9 =	sadd.s32 $0xFFFFFEF7, lr;
	s5 =	simm.s32 $0xFFFFFFFF;
	p2 =	slt.u32 s8, $0xFFFFF086  }
0x1c: {  	p1 =	slt.u32 s9, $0xF7A;
	s5 =	simm.s32 @!p2 $0x0  }
0x1d: {  	s5 =	simm.s32 @p1 $0x1;
	p0 =	seq.s32 s7, s2  }
0x1e: {  	s7 =	smul.u32 @!p0 $0xF7A, s2;
	p2 =	seq.s32 @!p0 s5, $0x0  }
0x1f: {  	s9 =	smul.u32 $0xF7A, s1;
	s8 =	simm.s32 @!p0 $0x1BF5;
	p2 =	por !p2, p0  }
0x20: {  	[sflag:s8] =	ssyncset.s32 @!p0 $0xFFFFF086;
	s6 =	sadd.s32 @!p0 s3, s7;
	s7 =	simm.s32 @!p0 $0x108  }
0x21: {  	s3 =	sadd.s32 s3, s9;
	s6 =	sadd.s32 @!p0 $0x88, s6;
	s7 =	simm.s32 @p2 $0x1082  }
0x22: {  	[simem:s7], [sflag:s8] =	dma.local @!p0 [hbm:s6], $0xF7A  }
0x23: {  	s9 =	sor.u32 $0xD0000000, s2;
	s6 =	simm.s32 $0x108;
	_ =	swait.ge @!p0 [sflag:s8], $0x0  }
0x24: {  	s3 =	sadd.s32 $0x88, s3;
	s6 =	simm.s32 @!p1 $0x1082;
	[sflag:s4] =	ssyncset.s32 $0xFFFFF086  }
0x25: {  	[simem:s6], [sflag:s4] =	dma.local [hbm:s3], $0xF7A  }
0x26: {  	[smem:$0x3F9F] =	sst s1;
	(tag) =	ssettag s2;
	_ =	strace s9  }
0x27: {  	s1 =	sld [smem:$0x3FAF]  }
0x28: {  	s2 =	sld [smem:$0x3FB0]  }
0x29: {  	s4 =	sld [smem:$0x3FB2]  }
0x2a: {  	p0 =	seq.s32 s5, $0x0;
	s5 =	sld [smem:$0x3FB3]  }
0x2b: {  	s6 =	sld [smem:$0x3FB4]  }
0x2c: {  	s7 =	sld [smem:$0x3FB5]  }
0x2d: {  	s3 =	simm.s32 $0x108;
	s8 =	sld [smem:$0x3FB6]  }
0x2e: {  	s3 =	simm.s32 @!p0 $0x1082;
	s9 =	sld [smem:$0x3FB7]  }
0x2f: {  	lr =	sadd.s32 s0, s3;
	s0 =	sld [smem:$0x3FAE]  }
0x30: {  	s3 =	sld [smem:$0x3FB1]  }
0x31: {  	[smem:$0x3FBA] =	sst s10  }
0x32: {  	s10 =	sld [smem:$0x3FB8];
	_ =	sdelay $0x3  }
0x33: {  	p0 =	seq.s32 s10, $0x1;
	s10 =	sld [smem:$0x3FBA];
	_ =	sdelay $0x3  }
0x34: {  	[smem:$0x3FBA] =	sst s10  }
0x35: {  	s10 =	sld [smem:$0x3FB9];
	_ =	sdelay $0x3  }
0x36: {  	p1 =	seq.s32 s10, $0x1;
	s10 =	sld [smem:$0x3FBA];
	_ =	sdelay $0x3  }
0x37: {  	[smem:$0x3FBA] =	sst s10  }
0x38: {  	s10 =	sld [smem:$0x3FBB]  }
0x39: {  	_ = 	snop;
	(pc) =	sbr.ind lr, $3  }
0x3a: {  	_ = 	snop  }
0x3b: {  	_ = 	snop  }
0x3c: {  	p2 =	seq.s32 s10, $0x1;
	s10 =	sld [smem:$0x3FBA]  }
0x3d: {  	_ =	shalt  }
0x3e: {  	_ =	shalt  }
0x3f: {  	_ =	shalt  }
0x40: {  	_ =	shalt  }
0x41: {  	_ =	shalt  }
0x42: {  	_ =	shalt  }
0x43: {  	_ =	shalt  }
0x44: {  	_ =	shalt  }
0x45: {  	_ =	shalt  }
0x46: {  	_ =	shalt  }
0x47: {  	_ =	shalt  }
0x48: {  	_ =	shalt  }
0x49: {  	_ =	shalt  }
0x4a: {  	_ =	shalt  }
0x4b: {  	_ =	shalt  }
0x4c: {  	_ =	shalt  }
0x4d: {  	_ =	shalt  }
0x4e: {  	_ =	shalt  }
0x4f: {  	_ =	shalt  }
0x50: {  	_ =	shalt  }
0x51: {  	_ =	shalt  }
0x52: {  	_ =	shalt  }
0x53: {  	_ =	shalt  }
0x54: {  	_ =	shalt  }
0x55: {  	_ =	shalt  }
0x56: {  	_ =	shalt  }
0x57: {  	_ =	shalt  }
0x58: {  	_ =	shalt  }
0x59: {  	_ =	shalt  }
0x5a: {  	_ =	shalt  }
0x5b: {  	_ =	shalt  }
0x5c: {  	_ =	shalt  }
0x5d: {  	_ =	shalt  }
0x5e: {  	_ =	shalt  }
0x5f: {  	_ =	shalt  }
0x60: {  	_ =	shalt  }
0x61: {  	_ =	shalt  }
0x62: {  	_ =	shalt  }
0x63: {  	_ =	shalt  }
0x64: {  	_ =	shalt  }
0x65: {  	_ =	shalt  }
0x66: {  	_ =	shalt  }
0x67: {  	_ =	shalt  }
0x68: {  	_ =	shalt  }
0x69: {  	_ =	shalt  }
0x6a: {  	_ =	shalt  }
0x6b: {  	_ =	shalt  }
0x6c: {  	_ =	shalt  }
0x6d: {  	_ =	shalt  }
0x6e: {  	_ =	shalt  }
0x6f: {  	_ =	shalt  }
0x70: {  	_ =	shalt  }
0x71: {  	_ =	shalt  }
0x72: {  	_ =	shalt  }
0x73: {  	_ =	shalt  }
0x74: {  	_ =	shalt  }
0x75: {  	_ =	shalt  }
0x76: {  	_ =	shalt  }
0x77: {  	_ =	shalt  }
0x78: {  	_ =	shalt  }
0x79: {  	_ =	shalt  }
0x7a: {  	_ =	shalt  }
0x7b: {  	_ =	shalt  }
0x7c: {  	_ =	shalt  }
0x7d: {  	_ =	shalt  }
0x7e: {  	_ =	shalt  }
0x7f: {  	_ =	shalt  }
0x80: {  	_ =	shalt  }
0x81: {  	_ =	shalt  }
0x82: {  	_ =	shalt  }
0x83: {  	_ =	shalt  }
0x84: {  	_ =	shalt  }
0x85: {  	_ =	shalt  }
0x86: {  	_ =	shalt  }
0x87: {  	_ =	shalt  }
.Lfunc_end0:
.L_simem_size_0:
called_computation_lowered:
.L_overlay_start_0:
0x88: {  	s2 =	sld [smem:$0x3FD9]  }
0x89: {  	s3 =	sld [smem:$0x3FFE];
	_ =	sdelay $0x1  }
0x8a: {  	s1 =	srdreg.scid  }
0x8b: {  	s0 =	sand.u32 $0x1, s1  }
0x8c: {  	s15 =	sshll.u32 s0, $0xA;
	s2 =	sadd.s32 s3, s2  }
0x8d: {  	s2 =	sadd.s32 s2, s15  }
0x8e: {  	[smem:$0x3FC6] =	sst s2  }
0x8f: {  	_ = 	snop  }
0x90: {  	s2 =	sld [smem:$0x3FD0];
	_ =	sdelay $0x1  }
0x91: {  	s16 =	sld [smem:$0x3FC9]  }
0x92: {  	s5 =	simm.s32 $0xA;
	s6 =	simm.s32 $0x10;
	s4 =	sld [smem:$0x3FC8]  }
0x93: {  	[smem:s6], [sflag:s5] =	dma.local [hbm:s2], $0x1  }
0x94: {  	_ =	swait.eq [sflag:s5], $0x1  }
0x95: {  	[sflag:s5] =	ssyncset.done $0x0  }
0x96: {  	[sflag:s5] =	ssyncadd.s32 $0xFFFFFFFF  }
0x97: {  	s17 =	sld [smem:$0x10];
	(tm) =	ssettm $0x1  }
0x98: {  	s18 =	sld [smem:$0x3FFB];
	_ =	sdelay $0x3  }
0x99: {  	_ =	strace s18  }
0x9a: {  	s5 =	sld [smem:$0x3FFC];
	_ =	sdelay $0x3  }
0x9b: {  	_ =	strace s5  }
0x9c: {  	s5 =	sld [smem:$0x3FFD];
	_ =	sdelay $0x3  }
0x9d: {  	_ =	strace s5  }
0x9e: {  	_ =	strace $0x8FFFFFFF  }
0x9f: {  	s19 =	sld [smem:$0x3FDB];
	_ =	sdelay $0x1  }
0xa0: {  	s20 =	simm.s32 $_scs_section_size  }
0xa1: {  	s7 =	simm.s32 $_size__tile_overlayer_lowered;
	s8 =	simm.s32 $_tile_overlayer_lowered  }
0xa2: {  	s23 =	simm.s32 $0x1BFF;
	s22 =	sshll.u32 s8, $0x1;
	s5 =	sadd.s32 s20, s19  }
0xa3: {  	s9 =	simm.s32 $0x0;
	s21 =	sshll.u32 s7, $0x1;
	s7 =	sadd.s32 s22, s5  }
0xa4: {  	[timem:s9], [sflag:s23] =	dma.local [hbm:s7], s21  }
0xa5: {  	_ =	swait.ge [sflag:s23], s21  }
0xa6: {  	s6 =	ssub.s32 $0x0, s21;
	[sflag:s23] =	ssyncset.done $0x0  }
0xa7: {  	[sflag:s23] =	ssyncadd.s32 s6;
	_ =	sdelay $0x1  }
0xa8: {  	s24 =	simm.s32 $0x1B8B  }
0xa9: {  	_ =	swait.ge [sflag:s24], $0x1  }
0xaa: {  	[sflag:s24] =	ssyncset.done $0x0  }
0xab: {  	s25 =	simm.s32 $0x1B8E;
	[sflag:s24] =	ssyncadd.s32 $0xFFFFFFFF  }
0xac: {  	s26 =	simm.s32 $execute0_lowered;
	[smem:$0x3FD2] =	sst s25  }
0xad: {  	s6 =	sshll.u32 s26, $0x1;
	_ =	strace $0x80000046;
	[dreg:$0x1] =	wrdreg $0xFFFFFFFF  }
0xae: {  	s28 =	simm.s32 $_size_execute0_lowered;
	s5 =	sadd.s32 s5, s6;
	[dreg:$0x0] =	wrdreg $0x0  }
0xaf: {  	s6 =	sshll.u32 s28, $0x1;
	[dreg:$0x2] =	wrdreg s5  }
0xb0: {  	[dreg:$0x3] =	wrdreg s6  }
0xb1: {  	[dreg:$0x4] =	wrdreg $0xC0  }
0xb2: {  	_ =	task [dreg:s9], $0x5FFFF  }
0xb3: {  	[dreg:$0x1] =	wrdreg $0xFFFFFFFF  }
0xb4: {  	[dreg:$0x0] =	wrdreg $0x60  }
0xb5: {  	[dreg:$0x2] =	wrdreg s16  }
0xb6: {  	[dreg:$0x3] =	wrdreg s4  }
0xb7: {  	[dreg:$0x4] =	wrdreg s17  }
0xb8: {  	[dreg:$0x5] =	wrdreg $0x9  }
0xb9: {  	_ =	task.clear_ibuf [dreg:s9], $0x6FFFF;
	_ =	strace $0x90000046  }
0xba: {  	s29 =	simm.s32 $0x9;
	_ =	strace $0x80000048  }
0xbb: {  	_ =	swait.ge [sflag:s29], $0x1  }
0xbc: {  	[sflag:s29] =	ssyncadd.s32 $0xFFFFFFFF  }
0xbd: {  	_ =	strace $0x90000048  }
0xbe: {  	_ =	sfence  }
0xbf: {  	s30 =	sld [smem:$0x0];
	_ =	sdelay $0x2  }
0xc0: {  	s31 =	sshll.u32 s1, $0xD;
	s1 =	sshrl.u32 s1, $0x2  }
0xc1: {  	s3 =	sand.u32 $0x4000, s31;
	s1 =	sadd.s32 s1, s30  }
0xc2: {  	s0 =	sor.u32 s3, s0;
	s1 =	sshll.u32 s1, $0x11  }
0xc3: {  	s0 =	sor.u32 s1, s0  }
0xc4: {  	s0 =	sadd.s32 $0x8F2B, s0  }
0xc5: {  	[sflag:s0] =	ssyncadd.remote.s32 $0x1  }
0xc6: {  	_ =	sfence.sel $0xFFFF  }
0xc7: {  	[dreg:$0x0] =	wrdreg $0xFFFFFFFF;
	(pc) =	sbr.abs _section_cstart, $3  }
0xc8: {  	[dreg:$0x1] =	wrdreg $0xFFFFFFFF  }
0xc9: {  	_ =	task.clear_ibuf [dreg:s9], $0x2FFFF;
	_ =	strace $0x9FFFFFFF  }
0xca: {  	(tm) =	ssettm $0x7FFFFFFF  }
0xcb: {  	_ =	shalt  }
tec
execute0_lowered:
.L_overlay_start_1:
0x0: {  	(tag) =	ssettag $0x1  }
0x1: {  	s10 =	rddreg [dreg:$0x0]  }
0x2: {  	s2 =	rddreg [dreg:$0x1]  }
0x3: {  	s7 =	rddreg [dreg:$0x2]  }
0x4: {  	s1 =	stileid.u32;
	s0 =	rddreg [dreg:$0x3]  }
0x5: {  	s3 =	srdreg.scid;
	s5 =	simm.s32 $0x0;
	s4 =	sshll.u32 s1, $0x1  }
0x6: {  	s3 =	sand.u32 $0x1, s3;
	s11 =	sshrl.u32 s1, $0x2;
	s4 =	sand.u32 $0x6, s4  }
0x7: {  	s8 =	smul.u32 $0x420000, s11;
	s12 =	ssub.s32 $0x2, s3;
	s4 =	sor.u32 s3, s4  }
0x8: {  	[smem:$0x7FF] =	sst s5;
	s13 =	sshrl.u32 s12, $0x1;
	s29 =	smul.u32 $0x84000, s4  }
0x9: {  	_ =	strace $0x80000047;
	s6 =	sshll.u32 s11, $0x16;
	s12 =	ssub.s32 s12, s13  }
0xa: {  	p0 =	sne.s32 s4, $0x0;
	s12 =	smax.u32 s12, $0x1;
	s5 =	sor.u32 s29, s6  }
0xb: {  	s30 =	sadd.s32 s8, s29;
	s6 =	simm.s32 @p0 $0x1;
	s5 =	sadd.s32 $0xFFFE0000, s5  }
0xc: {  	s3 =	sshrl.u32 s30, $0x3;
	s31 =	sshrl.u32 s5, $0x3;
	s5 =	sshll.u32 @p0 s1, $0x6  }
0xd: {  	s3 =	sadd.s32 s7, s3;
	s4 =	sadd.s32 s10, s31;
	s5 =	sor.u32 @p0 $0x1C01, s5  }
0xe: {  	[hbm:s3], [sflag:s5] =	dma.local @p0 [hbm:s4], $0x10800  }
0xf: {  	s8 =	sshrl.u32 s8, $0x3;
	s12 =	sadd.s32 $0xFFFFFFFF, s12;
	_ =	swait.ge @p0 [sflag:s6], $0x10800  }
0x10: {  	s7 =	sadd.s32 s7, s8;
	s8 =	sshll.u32 @!p0 s1, $0x6;
	[sflag:s6] =	ssyncset.done @p0 $0x0  }
0x11: {  	s9 =	sor.u32 @!p0 $0x1C01, s8;
	s8 =	simm.s32 @!p0 $0x1;
	[sflag:s6] =	ssyncadd.s32 @p0 $0xFFFEF800  }
0x12: {  	[hbm:s7], [sflag:s9] =	dma.local @!p0 [hbm:s2], $0x4000  }
0x13: {  	p1 =	sne.s32 s12, $0x0;
	_ =	swait.ge @!p0 [sflag:s8], $0x4000  }
.Ltmp0:
0x14: {  	s11 =	sshll.u32 s11, $0x13;
	[sflag:s8] =	ssyncset.done @!p0 $0x0;
	(pc) =	sbr.rel @!p1 .LBB2_2-.Ltmp0, $4  }
0x15: {  	s10 =	sadd.s32 s10, s11;
	s11 =	sadd.s32 $0x4000, s7;
	[sflag:s8] =	ssyncadd.s32 @!p0 $0xFFFFC000  }
0x16: {  	[hbm:s11], [sflag:s9] =	dma.local @!p0 [hbm:s10], $0xC800  }
0x17: {  	_ =	swait.ge @!p0 [sflag:s8], $0xC800  }
0x18: {  	[sflag:s8] =	ssyncset.done @!p0 $0x0  }
.LBB2_1:
0x19: {  	s12 =	sadd.s32 $0xFFFFFFFF, s12;
	[sflag:s8] =	ssyncadd.s32 @!p0 $0xFFFF3800  }
0x1a: {  	[hbm:s3], [sflag:s5] =	dma.local @p0 [hbm:s4], $0x10800  }
0x1b: {  	p1 =	sne.s32 s12, $0x0;
	_ =	swait.ge @p0 [sflag:s6], $0x10800  }
0x1c: {  	[sflag:s6] =	ssyncset.done @p0 $0x0  }
0x1d: {  	[sflag:s6] =	ssyncadd.s32 @p0 $0xFFFEF800  }
0x1e: {  	[hbm:s7], [sflag:s9] =	dma.local @!p0 [hbm:s2], $0x4000  }
0x1f: {  	_ =	swait.ge @!p0 [sflag:s8], $0x4000  }
.Ltmp1:
0x20: {  	[sflag:s8] =	ssyncset.done @!p0 $0x0;
	(pc) =	sbr.rel @p1 .LBB2_1-.Ltmp1, $4  }
0x21: {  	[sflag:s8] =	ssyncadd.s32 @!p0 $0xFFFFC000  }
0x22: {  	[hbm:s11], [sflag:s9] =	dma.local @!p0 [hbm:s10], $0xC800  }
0x23: {  	_ =	swait.ge @!p0 [sflag:s8], $0xC800  }
0x24: {  	[sflag:s8] =	ssyncset.done @!p0 $0x0  }
.LBB2_2:
0x25: {  	[sflag:s8] =	ssyncadd.s32 @!p0 $0xFFFF3800  }
0x26: {  	_ =	sfence.sel $0x180000  }
0x27: {  	[bflag:$0x0] =	sbarrier.arrive $0xFFFF  }
0x28: {  	p0 =	sne.s32 s1, $0x0;
	_ =	strace $0x90000047  }
0x29: {  	s0 =	sadd.s32 @!p0 $0x100000, s0;
	[bflag:$0x2] =	sbarrier.arrive $0xFFFF  }
0x2a: {  	[sflag:s0] =	ssyncadd.tile.s32 @!p0 $0x1;
	_ =	shalt  }
.Lfunc_end2:
_tile_overlayer_lowered:
.L_overlay_start_2:
0x2b: {  	(tag) =	ssettag $0x2  }
0x2c: {  	s0 =	rddreg [dreg:$0x0];
	s2 =	stileid.u32  }
0x2d: {  	s1 =	rddreg [dreg:$0x1];
	p0 =	sne.s32 s2, $0x0  }
0x2e: {  	s3 =	rddreg [dreg:$0x2];
	[bflag:$0x3] =	sbarrier.arrive $0xFFFF;
	s2 =	simm.s32 @!p0 $0x1C01  }
0x2f: {  	[timem:s3], [sflag:s2] =	dma.local @!p0 [hbm:s0], s1  }
0x30: {  	s0 =	simm.s32 @!p0 $0x1  }
0x31: {  	_ =	swait.ge @!p0 [sflag:s0], s1  }
0x32: {  	s1 =	ssub.s32 @!p0 $0x0, s1;
	[sflag:s0] =	ssyncset.done @!p0 $0x0  }
0x33: {  	[sflag:s0] =	ssyncadd.s32 @!p0 s1  }
0x34: {  	[bflag:$0x3] =	sbarrier.arrive $0xFFFF  }
0x35: {  	_ =	shalt  }

</sc_bundles>
